<compile_context>
chip_gen: v7x
topology: tpu7x:2x2x1
jax: 0.10.2.dev20260603
libtpu: 0.0.44.dev20260713+nightly
codegen_flags: <defaults>
</compile_context>

<pallas_src>
import functools

import jax
import jax.numpy as jnp
from jax import lax
from jax.experimental import pallas as pl
from jax.experimental.pallas import tpu as pltpu
from jax.experimental.pallas import tpu_sc as plsc

_S = 64.0
_M = 0.7
_BR = 128
_NW = 32
_L = 16


def _sc_gather_body(lab_hbm, x1d_hbm, out_hbm, lab_v, idx_v, val_v, sem):
    b = lab_hbm.shape[0]
    c = x1d_hbm.shape[0] // b
    bpw = b // _NW
    wid = lax.axis_index("s") * 2 + lax.axis_index("c")
    base = wid * bpw
    pltpu.sync_copy(lab_hbm.at[pl.ds(base, bpw)], lab_v)
    for j in range(bpw // _L):
        row = base + j * _L + lax.iota(jnp.int32, _L)
        idx_v[pl.ds(j * _L, _L)] = row * c + lab_v[pl.ds(j * _L, _L)]
    pltpu.async_copy(x1d_hbm.at[idx_v], val_v, sem).wait()
    pltpu.sync_copy(val_v, out_hbm.at[pl.ds(base, bpw)])


def _tc_body(lab_ref, t_ref, x_ref, diff_ref, theta_ref):
    x = x_ref[...]
    lab = lab_ref[...]
    br, c = x.shape

    t = jnp.clip(t_ref[...], -1.0, 1.0)
    y = jnp.abs(t)
    p = jnp.float32(-0.0012624911)
    for coef in (0.0066700901, -0.0170881256, 0.0308918810,
                 -0.0501743046, 0.0889789874, -0.2145988016,
                 1.5707963050):
        p = p * y + jnp.float32(coef)
    r = jnp.sqrt(jnp.maximum(1.0 - y, 0.0)) * p
    theta = jnp.where(t >= 0.0, r, jnp.pi - r)
    tpm = jnp.pi * jnp.exp(_M * jnp.log(theta * (1.0 / jnp.pi)))
    ftl = jnp.cos(tpm)
    theta_ref[...] = tpm - theta

    a = x[:, : c - 1]
    b = x[:, 1:]
    cols = lax.broadcasted_iota(jnp.int32, (br, c - 1), 1)
    sel = jnp.where(cols < lab, a, b)
    diff_ref[...] = sel * _S - ftl * _S


@jax.jit
def kernel(logits, labels):
    b, c = logits.shape
    x1d = logits.reshape(b * c)
    bpw = b // _NW

    sc_gather = functools.partial(
        pl.kernel,
        mesh=plsc.VectorSubcoreMesh(core_axis_name="c", subcore_axis_name="s"),
        out_type=jax.ShapeDtypeStruct((b,), jnp.float32),
        scratch_types=[
            pltpu.VMEM((bpw,), jnp.int32),
            pltpu.VMEM((bpw,), jnp.int32),
            pltpu.VMEM((bpw,), jnp.float32),
            pltpu.SemaphoreType.DMA,
        ],
    )(_sc_gather_body)
    t = sc_gather(labels, x1d)

    lab2 = labels.reshape(b, 1)
    t2 = t.reshape(b, 1)
    grid = b // _BR
    diff, theta_m = pl.pallas_call(
        _tc_body,
        grid=(grid,),
        in_specs=[
            pl.BlockSpec((_BR, 1), lambda i: (i, 0)),
            pl.BlockSpec((_BR, 1), lambda i: (i, 0)),
            pl.BlockSpec((_BR, c), lambda i: (i, 0)),
        ],
        out_specs=[
            pl.BlockSpec((_BR, c - 1), lambda i: (i, 0)),
            pl.BlockSpec((_BR, 1), lambda i: (i, 0)),
        ],
        out_shape=[
            jax.ShapeDtypeStruct((b, c - 1), jnp.float32),
            jax.ShapeDtypeStruct((b, 1), jnp.float32),
        ],
    )(lab2, t2, logits)
    return diff, theta_m.reshape(b)

# --- scband reference (transcript-rebuilt; emitter-appended) ---
"""Pipeline reference for scband-power-face-norm1-26336739459517 (READ-ONLY COPY).

The authoritative reference and input builder live on the scoring server;
editing this copy changes nothing except your own understanding.
"""

import jax, jax.numpy as jnp
import numpy as np

S = 64.0
M = 0.7
B = 4096
C = 10000


def setup_inputs(seed: int = 0) -> dict:
    key = jax.random.key(seed)
    k1, k2 = jax.random.split(key)
    logits = jax.random.uniform(k1, (B, C), dtype=jnp.float32)  # cosine logits in [0,1)
    labels = jax.random.randint(k2, (B,), 0, C, dtype=jnp.int32)
    return {"logits": logits, "labels": labels}


def reference(logits, labels):
    # index = where(labels != -1); generated labels are all valid, so this is arange(B)
    index = jnp.arange(logits.shape[0])
    lab = labels[index]
    target_logit = logits[index, lab]
    # no_grad block in torch: pure value computation
    theta = jnp.arccos(jnp.clip(target_logit, -1.0, 1.0))
    theta_plus_m = (theta / jnp.pi) ** M * jnp.pi
    final_target_logit = jnp.cos(theta_plus_m)
    theta_m = theta_plus_m - theta
    # in-place write of margin-adjusted target logit
    logits2 = logits.at[index, lab].set(final_target_logit)
    logits_s = logits2 * S
    target_s = logits_s[index, lab]
    # non_target_logits = logits[mask].view(B, C-1): all columns except the label column,
    # preserving column order -> gather with skip-index trick
    Bn, Cn = logits_s.shape
    cols = jnp.arange(Cn - 1)[None, :]
    gather_idx = cols + (cols >= lab[:, None]).astype(cols.dtype)
    non_target_logits = jnp.take_along_axis(logits_s, gather_idx, axis=1)
    diff_logits = non_target_logits - target_s[:, None]
    return (diff_logits, theta_m)

if __name__ == "__main__":
    import jax
    _d = setup_inputs()
    print(jax.jit(kernel)(*tuple(_d.values())))

</pallas_src>

<mosaic_0001>
#map = affine_map<(d0, d1) -> (0)>
module attributes {stable_mosaic.version = 14 : i64} {
  func.func @_sc_gather_body(%arg0: i32, %arg1: i32, %arg2: memref<4096xi32, #tpu.memory_space<hbm>>, %arg3: memref<40960000xf32, #tpu.memory_space<hbm>>, %arg4: memref<4096xf32, #tpu.memory_space<hbm>>, %arg5: memref<128xi32, #tpu.memory_space<vmem>>, %arg6: memref<128xi32, #tpu.memory_space<vmem>>, %arg7: memref<128xf32, #tpu.memory_space<vmem>>, %arg8: memref<!tpu.dma_semaphore, #tpu.memory_space<semaphore_mem>>) attributes {dimension_semantics = [#tpu.dimension_semantics<core_parallel>, #tpu.dimension_semantics<subcore_parallel>], iteration_bounds = array<i64: 2, 16>, scalar_prefetch = 0 : i64, scratch_operands = 4 : i64, tpu.core_type = #tpu.core_type<sc_vector_subcore>, window_params = [{transform_indices = #map}, {transform_indices = #map}, {transform_indices = #map}]} {
    %mul3A = arith.constant 2 : i32
    %mul3A_0 = arith.muli %arg1, %mul3A : i32
    %add3A = arith.addi %mul3A_0, %arg0 : i32
    %mul3A_1 = arith.constant 128 : i32
    %mul3A_2 = arith.muli %add3A, %mul3A_1 : i32
    "tpu.region"() ({
      %run_scoped3A = tpu.sem_alloc : memref<!tpu.dma_semaphore, #tpu.memory_space<semaphore_mem>>
      %dma_start3A_130 = tpu.memref_slice %arg2[%mul3A_2] : memref<4096xi32, #tpu.memory_space<hbm>> -> memref<128xi32, #tpu.memory_space<hbm>>
      %dma_start3A_131 = tpu.memref_slice %arg2[%mul3A_2] : memref<4096xi32, #tpu.memory_space<hbm>> -> memref<128xi32, #tpu.memory_space<hbm>>
      tpu.enqueue_dma source(%dma_start3A_131 : memref<128xi32, #tpu.memory_space<hbm>>) target(%arg5 : memref<128xi32, #tpu.memory_space<vmem>>) target_semaphore(%run_scoped3A : memref<!tpu.dma_semaphore, #tpu.memory_space<semaphore_mem>>)
      %dma_wait3A_132 = tpu.memref_slice %arg2[%mul3A_2] : memref<4096xi32, #tpu.memory_space<hbm>> -> memref<128xi32, #tpu.memory_space<hbm>>
      %dma_wait3A_133 = tpu.memref_slice %arg2[%mul3A_2] : memref<4096xi32, #tpu.memory_space<hbm>> -> memref<128xi32, #tpu.memory_space<hbm>>
      tpu.wait_dma2 semaphore(%run_scoped3A : memref<!tpu.dma_semaphore, #tpu.memory_space<semaphore_mem>>) src(%dma_wait3A_133 : memref<128xi32, #tpu.memory_space<hbm>>) dst(%arg5 : memref<128xi32, #tpu.memory_space<vmem>>)
      tpu.yield
    }) : () -> ()
    %add3A_3 = arith.constant 0 : i32
    %add3A_4 = arith.addi %mul3A_2, %add3A_3 : i32
    %iota3A = tpu.iota {dimensions = array<i32: 0>} : vector<16xi32>
    %add3A_5 = vector.broadcast %add3A_4 : i32 to vector<16xi32>
    %add3A_6 = arith.addi %add3A_5, %iota3A : vector<16xi32>
    %mul3A_7 = arith.constant 10000 : i32
    %mul3A_8 = vector.broadcast %mul3A_7 : i32 to vector<16xi32>
    %mul3A_9 = arith.muli %add3A_6, %mul3A_8 : vector<16xi32>
    %get3A = arith.constant 0 : index
    %get3A_10 = tpu.vector_load %arg5[%get3A] {strides = array<i32>} : memref<128xi32, #tpu.memory_space<vmem>>, vector<16xi32>,
    %get3A_11 = vector.shape_cast %get3A_10 : vector<16xi32> to vector<16xi32>
    %add3A_12 = arith.addi %mul3A_9, %get3A_11 : vector<16xi32>
    %swap3A = arith.constant 0 : index
    %swap3A_13 = tpu.vector_load %arg6[%swap3A] {strides = array<i32>} : memref<128xi32, #tpu.memory_space<vmem>>, vector<16xi32>,
    %swap3A_14 = vector.shape_cast %swap3A_13 : vector<16xi32> to vector<16xi32>
    %swap3A_15 = vector.shape_cast %add3A_12 : vector<16xi32> to vector<16xi32>
    tpu.vector_store %arg6[%swap3A], %swap3A_15 {strides = array<i32>} : memref<128xi32, #tpu.memory_space<vmem>>, vector<16xi32>,
    %add3A_16 = arith.constant 16 : i32
    %add3A_17 = arith.addi %mul3A_2, %add3A_16 : i32
    %iota3A_18 = tpu.iota {dimensions = array<i32: 0>} : vector<16xi32>
    %add3A_19 = vector.broadcast %add3A_17 : i32 to vector<16xi32>
    %add3A_20 = arith.addi %add3A_19, %iota3A_18 : vector<16xi32>
    %mul3A_21 = arith.constant 10000 : i32
    %mul3A_22 = vector.broadcast %mul3A_21 : i32 to vector<16xi32>
    %mul3A_23 = arith.muli %add3A_20, %mul3A_22 : vector<16xi32>
    %get3A_24 = arith.constant 16 : index
    %get3A_25 = tpu.vector_load %arg5[%get3A_24] {strides = array<i32>} : memref<128xi32, #tpu.memory_space<vmem>>, vector<16xi32>,
    %get3A_26 = vector.shape_cast %get3A_25 : vector<16xi32> to vector<16xi32>
    %add3A_27 = arith.addi %mul3A_23, %get3A_26 : vector<16xi32>
    %swap3A_28 = arith.constant 16 : index
    %swap3A_29 = tpu.vector_load %arg6[%swap3A_28] {strides = array<i32>} : memref<128xi32, #tpu.memory_space<vmem>>, vector<16xi32>,
    %swap3A_30 = vector.shape_cast %swap3A_29 : vector<16xi32> to vector<16xi32>
    %swap3A_31 = vector.shape_cast %add3A_27 : vector<16xi32> to vector<16xi32>
    tpu.vector_store %arg6[%swap3A_28], %swap3A_31 {strides = array<i32>} : memref<128xi32, #tpu.memory_space<vmem>>, vector<16xi32>,
    %add3A_32 = arith.constant 32 : i32
    %add3A_33 = arith.addi %mul3A_2, %add3A_32 : i32
    %iota3A_34 = tpu.iota {dimensions = array<i32: 0>} : vector<16xi32>
    %add3A_35 = vector.broadcast %add3A_33 : i32 to vector<16xi32>
    %add3A_36 = arith.addi %add3A_35, %iota3A_34 : vector<16xi32>
    %mul3A_37 = arith.constant 10000 : i32
    %mul3A_38 = vector.broadcast %mul3A_37 : i32 to vector<16xi32>
    %mul3A_39 = arith.muli %add3A_36, %mul3A_38 : vector<16xi32>
    %get3A_40 = arith.constant 32 : index
    %get3A_41 = tpu.vector_load %arg5[%get3A_40] {strides = array<i32>} : memref<128xi32, #tpu.memory_space<vmem>>, vector<16xi32>,
    %get3A_42 = vector.shape_cast %get3A_41 : vector<16xi32> to vector<16xi32>
    %add3A_43 = arith.addi %mul3A_39, %get3A_42 : vector<16xi32>
    %swap3A_44 = arith.constant 32 : index
    %swap3A_45 = tpu.vector_load %arg6[%swap3A_44] {strides = array<i32>} : memref<128xi32, #tpu.memory_space<vmem>>, vector<16xi32>,
    %swap3A_46 = vector.shape_cast %swap3A_45 : vector<16xi32> to vector<16xi32>
    %swap3A_47 = vector.shape_cast %add3A_43 : vector<16xi32> to vector<16xi32>
    tpu.vector_store %arg6[%swap3A_44], %swap3A_47 {strides = array<i32>} : memref<128xi32, #tpu.memory_space<vmem>>, vector<16xi32>,
    %add3A_48 = arith.constant 48 : i32
    %add3A_49 = arith.addi %mul3A_2, %add3A_48 : i32
    %iota3A_50 = tpu.iota {dimensions = array<i32: 0>} : vector<16xi32>
    %add3A_51 = vector.broadcast %add3A_49 : i32 to vector<16xi32>
    %add3A_52 = arith.addi %add3A_51, %iota3A_50 : vector<16xi32>
    %mul3A_53 = arith.constant 10000 : i32
    %mul3A_54 = vector.broadcast %mul3A_53 : i32 to vector<16xi32>
    %mul3A_55 = arith.muli %add3A_52, %mul3A_54 : vector<16xi32>
    %get3A_56 = arith.constant 48 : index
    %get3A_57 = tpu.vector_load %arg5[%get3A_56] {strides = array<i32>} : memref<128xi32, #tpu.memory_space<vmem>>, vector<16xi32>,
    %get3A_58 = vector.shape_cast %get3A_57 : vector<16xi32> to vector<16xi32>
    %add3A_59 = arith.addi %mul3A_55, %get3A_58 : vector<16xi32>
    %swap3A_60 = arith.constant 48 : index
    %swap3A_61 = tpu.vector_load %arg6[%swap3A_60] {strides = array<i32>} : memref<128xi32, #tpu.memory_space<vmem>>, vector<16xi32>,
    %swap3A_62 = vector.shape_cast %swap3A_61 : vector<16xi32> to vector<16xi32>
    %swap3A_63 = vector.shape_cast %add3A_59 : vector<16xi32> to vector<16xi32>
    tpu.vector_store %arg6[%swap3A_60], %swap3A_63 {strides = array<i32>} : memref<128xi32, #tpu.memory_space<vmem>>, vector<16xi32>,
    %add3A_64 = arith.constant 64 : i32
    %add3A_65 = arith.addi %mul3A_2, %add3A_64 : i32
    %iota3A_66 = tpu.iota {dimensions = array<i32: 0>} : vector<16xi32>
    %add3A_67 = vector.broadcast %add3A_65 : i32 to vector<16xi32>
    %add3A_68 = arith.addi %add3A_67, %iota3A_66 : vector<16xi32>
    %mul3A_69 = arith.constant 10000 : i32
    %mul3A_70 = vector.broadcast %mul3A_69 : i32 to vector<16xi32>
    %mul3A_71 = arith.muli %add3A_68, %mul3A_70 : vector<16xi32>
    %get3A_72 = arith.constant 64 : index
    %get3A_73 = tpu.vector_load %arg5[%get3A_72] {strides = array<i32>} : memref<128xi32, #tpu.memory_space<vmem>>, vector<16xi32>,
    %get3A_74 = vector.shape_cast %get3A_73 : vector<16xi32> to vector<16xi32>
    %add3A_75 = arith.addi %mul3A_71, %get3A_74 : vector<16xi32>
    %swap3A_76 = arith.constant 64 : index
    %swap3A_77 = tpu.vector_load %arg6[%swap3A_76] {strides = array<i32>} : memref<128xi32, #tpu.memory_space<vmem>>, vector<16xi32>,
    %swap3A_78 = vector.shape_cast %swap3A_77 : vector<16xi32> to vector<16xi32>
    %swap3A_79 = vector.shape_cast %add3A_75 : vector<16xi32> to vector<16xi32>
    tpu.vector_store %arg6[%swap3A_76], %swap3A_79 {strides = array<i32>} : memref<128xi32, #tpu.memory_space<vmem>>, vector<16xi32>,
    %add3A_80 = arith.constant 80 : i32
    %add3A_81 = arith.addi %mul3A_2, %add3A_80 : i32
    %iota3A_82 = tpu.iota {dimensions = array<i32: 0>} : vector<16xi32>
    %add3A_83 = vector.broadcast %add3A_81 : i32 to vector<16xi32>
    %add3A_84 = arith.addi %add3A_83, %iota3A_82 : vector<16xi32>
    %mul3A_85 = arith.constant 10000 : i32
    %mul3A_86 = vector.broadcast %mul3A_85 : i32 to vector<16xi32>
    %mul3A_87 = arith.muli %add3A_84, %mul3A_86 : vector<16xi32>
    %get3A_88 = arith.constant 80 : index
    %get3A_89 = tpu.vector_load %arg5[%get3A_88] {strides = array<i32>} : memref<128xi32, #tpu.memory_space<vmem>>, vector<16xi32>,
    %get3A_90 = vector.shape_cast %get3A_89 : vector<16xi32> to vector<16xi32>
    %add3A_91 = arith.addi %mul3A_87, %get3A_90 : vector<16xi32>
    %swap3A_92 = arith.constant 80 : index
    %swap3A_93 = tpu.vector_load %arg6[%swap3A_92] {strides = array<i32>} : memref<128xi32, #tpu.memory_space<vmem>>, vector<16xi32>,
    %swap3A_94 = vector.shape_cast %swap3A_93 : vector<16xi32> to vector<16xi32>
    %swap3A_95 = vector.shape_cast %add3A_91 : vector<16xi32> to vector<16xi32>
    tpu.vector_store %arg6[%swap3A_92], %swap3A_95 {strides = array<i32>} : memref<128xi32, #tpu.memory_space<vmem>>, vector<16xi32>,
    %add3A_96 = arith.constant 96 : i32
    %add3A_97 = arith.addi %mul3A_2, %add3A_96 : i32
    %iota3A_98 = tpu.iota {dimensions = array<i32: 0>} : vector<16xi32>
    %add3A_99 = vector.broadcast %add3A_97 : i32 to vector<16xi32>
    %add3A_100 = arith.addi %add3A_99, %iota3A_98 : vector<16xi32>
    %mul3A_101 = arith.constant 10000 : i32
    %mul3A_102 = vector.broadcast %mul3A_101 : i32 to vector<16xi32>
    %mul3A_103 = arith.muli %add3A_100, %mul3A_102 : vector<16xi32>
    %get3A_104 = arith.constant 96 : index
    %get3A_105 = tpu.vector_load %arg5[%get3A_104] {strides = array<i32>} : memref<128xi32, #tpu.memory_space<vmem>>, vector<16xi32>,
    %get3A_106 = vector.shape_cast %get3A_105 : vector<16xi32> to vector<16xi32>
    %add3A_107 = arith.addi %mul3A_103, %get3A_106 : vector<16xi32>
    %swap3A_108 = arith.constant 96 : index
    %swap3A_109 = tpu.vector_load %arg6[%swap3A_108] {strides = array<i32>} : memref<128xi32, #tpu.memory_space<vmem>>, vector<16xi32>,
    %swap3A_110 = vector.shape_cast %swap3A_109 : vector<16xi32> to vector<16xi32>
    %swap3A_111 = vector.shape_cast %add3A_107 : vector<16xi32> to vector<16xi32>
    tpu.vector_store %arg6[%swap3A_108], %swap3A_111 {strides = array<i32>} : memref<128xi32, #tpu.memory_space<vmem>>, vector<16xi32>,
    %add3A_112 = arith.constant 112 : i32
    %add3A_113 = arith.addi %mul3A_2, %add3A_112 : i32
    %iota3A_114 = tpu.iota {dimensions = array<i32: 0>} : vector<16xi32>
    %add3A_115 = vector.broadcast %add3A_113 : i32 to vector<16xi32>
    %add3A_116 = arith.addi %add3A_115, %iota3A_114 : vector<16xi32>
    %mul3A_117 = arith.constant 10000 : i32
    %mul3A_118 = vector.broadcast %mul3A_117 : i32 to vector<16xi32>
    %mul3A_119 = arith.muli %add3A_116, %mul3A_118 : vector<16xi32>
    %get3A_120 = arith.constant 112 : index
    %get3A_121 = tpu.vector_load %arg5[%get3A_120] {strides = array<i32>} : memref<128xi32, #tpu.memory_space<vmem>>, vector<16xi32>,
    %get3A_122 = vector.shape_cast %get3A_121 : vector<16xi32> to vector<16xi32>
    %add3A_123 = arith.addi %mul3A_119, %get3A_122 : vector<16xi32>
    %swap3A_124 = arith.constant 112 : index
    %swap3A_125 = tpu.vector_load %arg6[%swap3A_124] {strides = array<i32>} : memref<128xi32, #tpu.memory_space<vmem>>, vector<16xi32>,
    %swap3A_126 = vector.shape_cast %swap3A_125 : vector<16xi32> to vector<16xi32>
    %swap3A_127 = vector.shape_cast %add3A_123 : vector<16xi32> to vector<16xi32>
    tpu.vector_store %arg6[%swap3A_124], %swap3A_127 {strides = array<i32>} : memref<128xi32, #tpu.memory_space<vmem>>, vector<16xi32>,
    %dma_start3A = arith.constant 0 : i32
    %dma_start3A_128 = tpu.memref_slice %arg3[%dma_start3A] : memref<40960000xf32, #tpu.memory_space<hbm>> -> memref<40960000xf32, #tpu.memory_space<hbm>>
    tpu.enqueue_indirect_dma source(%dma_start3A_128 : memref<40960000xf32, #tpu.memory_space<hbm>>) target(%arg7 : memref<128xf32, #tpu.memory_space<vmem>>) offsets(%arg6 : memref<128xi32, #tpu.memory_space<vmem>>) semaphore(%arg8 : memref<!tpu.dma_semaphore, #tpu.memory_space<semaphore_mem>>)
    %dma_wait3A = arith.constant 0 : i32
    %dma_wait3A_129 = tpu.memref_slice %arg3[%dma_wait3A] : memref<40960000xf32, #tpu.memory_space<hbm>> -> memref<40960000xf32, #tpu.memory_space<hbm>>
    tpu.wait_indirect_dma semaphore(%arg8 : memref<!tpu.dma_semaphore, #tpu.memory_space<semaphore_mem>>) src(%dma_wait3A_129 : memref<40960000xf32, #tpu.memory_space<hbm>>) dst(%arg7 : memref<128xf32, #tpu.memory_space<vmem>>)
    "tpu.region"() ({
      %run_scoped3A = tpu.sem_alloc : memref<!tpu.dma_semaphore, #tpu.memory_space<semaphore_mem>>
      %dma_start3A_130 = tpu.memref_slice %arg4[%mul3A_2] : memref<4096xf32, #tpu.memory_space<hbm>> -> memref<128xf32, #tpu.memory_space<hbm>>
      %dma_start3A_131 = tpu.memref_slice %arg4[%mul3A_2] : memref<4096xf32, #tpu.memory_space<hbm>> -> memref<128xf32, #tpu.memory_space<hbm>>
      tpu.enqueue_dma source(%arg7 : memref<128xf32, #tpu.memory_space<vmem>>) target(%dma_start3A_131 : memref<128xf32, #tpu.memory_space<hbm>>) target_semaphore(%run_scoped3A : memref<!tpu.dma_semaphore, #tpu.memory_space<semaphore_mem>>)
      %dma_wait3A_132 = tpu.memref_slice %arg4[%mul3A_2] : memref<4096xf32, #tpu.memory_space<hbm>> -> memref<128xf32, #tpu.memory_space<hbm>>
      %dma_wait3A_133 = tpu.memref_slice %arg4[%mul3A_2] : memref<4096xf32, #tpu.memory_space<hbm>> -> memref<128xf32, #tpu.memory_space<hbm>>
      tpu.wait_dma2 semaphore(%run_scoped3A : memref<!tpu.dma_semaphore, #tpu.memory_space<semaphore_mem>>) src(%arg7 : memref<128xf32, #tpu.memory_space<vmem>>) dst(%dma_wait3A_133 : memref<128xf32, #tpu.memory_space<hbm>>)
      tpu.yield
    }) : () -> ()
    return
  }
}

module attributes {stable_mosaic.version = 14 : i64} {
  func.func @_tc_body(%arg0: i32, %arg1: memref<128x1xi32, #tpu.memory_space<vmem>>, %arg2: memref<128x1xf32, #tpu.memory_space<vmem>>, %arg3: memref<128x10000xf32, #tpu.memory_space<vmem>>, %arg4: memref<128x9999xf32, #tpu.memory_space<vmem>>, %arg5: memref<128x1xf32, #tpu.memory_space<vmem>>) attributes {dimension_semantics = [#tpu.dimension_semantics<arbitrary>], iteration_bounds = array<i64: 32>, scalar_prefetch = 0 : i64, scratch_operands = 0 : i64, tpu.core_type = #tpu.core_type<tc>, window_params = [{transform_indices = @transform_0, window_bounds = array<i64: 128, 1>}, {transform_indices = @transform_1, window_bounds = array<i64: 128, 1>}, {transform_indices = @transform_2, window_bounds = array<i64: 128, 10000>}, {transform_indices = @transform_3, window_bounds = array<i64: 128, 9999>}, {transform_indices = @transform_4, window_bounds = array<i64: 128, 1>}]} {
    %get3A = arith.constant 0 : index
    %get3A_0 = arith.constant 0 : index
    %get3A_1 = vector.load %arg3[%get3A, %get3A_0] : memref<128x10000xf32, #tpu.memory_space<vmem>>, vector<128x10000xf32>
    %get3A_2 = arith.constant 0 : index
    %get3A_3 = arith.constant 0 : index
    %get3A_4 = vector.load %arg1[%get3A_2, %get3A_3] : memref<128x1xi32, #tpu.memory_space<vmem>>, vector<128x1xi32>
    %get3A_5 = arith.constant 0 : index
    %get3A_6 = arith.constant 0 : index
    %get3A_7 = vector.load %arg2[%get3A_5, %get3A_6] : memref<128x1xf32, #tpu.memory_space<vmem>>, vector<128x1xf32>
    %jit3A = arith.constant -1.000000e+00 : f32
    %jit3A_8 = arith.constant 1.000000e+00 : f32
    %max3A = vector.broadcast %jit3A : f32 to vector<128x1xf32>
    %max3A_9 = arith.maximumf %max3A, %get3A_7 : vector<128x1xf32>
    %min3A = vector.broadcast %jit3A_8 : f32 to vector<128x1xf32>
    %min3A_10 = arith.minimumf %min3A, %max3A_9 : vector<128x1xf32>
    %abs3A = math.absf %min3A_10 : vector<128x1xf32>
    %mul3A = arith.constant -0.0012624911 : f32
    %mul3A_11 = vector.broadcast %mul3A : f32 to vector<128x1xf32>
    %mul3A_12 = arith.mulf %mul3A_11, %abs3A : vector<128x1xf32>
    %add3A = arith.constant 6.670090e-03 : f32
    %add3A_13 = vector.broadcast %add3A : f32 to vector<128x1xf32>
    %add3A_14 = arith.addf %mul3A_12, %add3A_13 : vector<128x1xf32>
    %mul3A_15 = arith.mulf %add3A_14, %abs3A : vector<128x1xf32>
    %add3A_16 = arith.constant -0.0170881264 : f32
    %add3A_17 = vector.broadcast %add3A_16 : f32 to vector<128x1xf32>
    %add3A_18 = arith.addf %mul3A_15, %add3A_17 : vector<128x1xf32>
    %mul3A_19 = arith.mulf %add3A_18, %abs3A : vector<128x1xf32>
    %add3A_20 = arith.constant 0.0308918804 : f32
    %add3A_21 = vector.broadcast %add3A_20 : f32 to vector<128x1xf32>
    %add3A_22 = arith.addf %mul3A_19, %add3A_21 : vector<128x1xf32>
    %mul3A_23 = arith.mulf %add3A_22, %abs3A : vector<128x1xf32>
    %add3A_24 = arith.constant -0.0501743034 : f32
    %add3A_25 = vector.broadcast %add3A_24 : f32 to vector<128x1xf32>
    %add3A_26 = arith.addf %mul3A_23, %add3A_25 : vector<128x1xf32>
    %mul3A_27 = arith.mulf %add3A_26, %abs3A : vector<128x1xf32>
    %add3A_28 = arith.constant 0.0889789909 : f32
    %add3A_29 = vector.broadcast %add3A_28 : f32 to vector<128x1xf32>
    %add3A_30 = arith.addf %mul3A_27, %add3A_29 : vector<128x1xf32>
    %mul3A_31 = arith.mulf %add3A_30, %abs3A : vector<128x1xf32>
    %add3A_32 = arith.constant -0.214598805 : f32
    %add3A_33 = vector.broadcast %add3A_32 : f32 to vector<128x1xf32>
    %add3A_34 = arith.addf %mul3A_31, %add3A_33 : vector<128x1xf32>
    %mul3A_35 = arith.mulf %add3A_34, %abs3A : vector<128x1xf32>
    %add3A_36 = arith.constant 1.57079625 : f32
    %add3A_37 = vector.broadcast %add3A_36 : f32 to vector<128x1xf32>
    %add3A_38 = arith.addf %mul3A_35, %add3A_37 : vector<128x1xf32>
    %sub3A = arith.constant 1.000000e+00 : f32
    %sub3A_39 = vector.broadcast %sub3A : f32 to vector<128x1xf32>
    %sub3A_40 = arith.subf %sub3A_39, %abs3A : vector<128x1xf32>
    %max3A_41 = arith.constant 0.000000e+00 : f32
    %max3A_42 = vector.broadcast %max3A_41 : f32 to vector<128x1xf32>
    %max3A_43 = arith.maximumf %sub3A_40, %max3A_42 : vector<128x1xf32>
    %sqrt3A = math.sqrt %max3A_43 : vector<128x1xf32>
    %mul3A_44 = arith.mulf %sqrt3A, %add3A_38 : vector<128x1xf32>
    %ge3A = arith.constant 0.000000e+00 : f32
    %ge3A_45 = vector.broadcast %ge3A : f32 to vector<128x1xf32>
    %ge3A_46 = arith.cmpf oge, %min3A_10, %ge3A_45 : vector<128x1xf32>
    %sub3A_47 = arith.constant 3.14159274 : f32
    %sub3A_48 = vector.broadcast %sub3A_47 : f32 to vector<128x1xf32>
    %sub3A_49 = arith.subf %sub3A_48, %mul3A_44 : vector<128x1xf32>
    %select_n3A = arith.select %ge3A_46, %mul3A_44, %sub3A_49 : vector<128x1xi1>, vector<128x1xf32>
    %mul3A_50 = arith.constant 0.318309873 : f32
    %mul3A_51 = vector.broadcast %mul3A_50 : f32 to vector<128x1xf32>
    %mul3A_52 = arith.mulf %select_n3A, %mul3A_51 : vector<128x1xf32>
    %log3A = math.log %mul3A_52 : vector<128x1xf32>
    %mul3A_53 = arith.constant 0.699999988 : f32
    %mul3A_54 = vector.broadcast %mul3A_53 : f32 to vector<128x1xf32>
    %mul3A_55 = arith.mulf %mul3A_54, %log3A : vector<128x1xf32>
    %exp3A = math.exp %mul3A_55 : vector<128x1xf32>
    %mul3A_56 = arith.constant 3.14159274 : f32
    %mul3A_57 = vector.broadcast %mul3A_56 : f32 to vector<128x1xf32>
    %mul3A_58 = arith.mulf %mul3A_57, %exp3A : vector<128x1xf32>
    %cos3A = math.cos %mul3A_58 : vector<128x1xf32>
    %sub3A_59 = arith.subf %mul3A_58, %select_n3A : vector<128x1xf32>
    %swap3A = arith.constant 0 : index
    %swap3A_60 = arith.constant 0 : index
    %swap3A_61 = vector.load %arg5[%swap3A, %swap3A_60] : memref<128x1xf32, #tpu.memory_space<vmem>>, vector<128x1xf32>
    tpu.vector_store %arg5[%swap3A, %swap3A_60], %sub3A_59 {strides = array<i32>} : memref<128x1xf32, #tpu.memory_space<vmem>>, vector<128x1xf32>,
    %slice3A = vector.extract_strided_slice %get3A_1 {offsets = [0, 0], sizes = [128, 9999], strides = [1, 1]} : vector<128x10000xf32> to vector<128x9999xf32>
    %slice3A_62 = vector.extract_strided_slice %get3A_1 {offsets = [0, 1], sizes = [128, 9999], strides = [1, 1]} : vector<128x10000xf32> to vector<128x9999xf32>
    %iota3A = tpu.iota {dimensions = array<i32: 1>} : vector<128x9999xi32>
    %lt3A = vector.broadcast %get3A_4 : vector<128x1xi32> to vector<128x9999xi32>
    %lt3A_63 = arith.cmpi slt, %iota3A, %lt3A : vector<128x9999xi32>
    %select_n3A_64 = arith.select %lt3A_63, %slice3A, %slice3A_62 : vector<128x9999xi1>, vector<128x9999xf32>
    %mul3A_65 = arith.constant 6.400000e+01 : f32
    %mul3A_66 = vector.broadcast %mul3A_65 : f32 to vector<128x9999xf32>
    %mul3A_67 = arith.mulf %select_n3A_64, %mul3A_66 : vector<128x9999xf32>
    %mul3A_68 = arith.constant 6.400000e+01 : f32
    %mul3A_69 = vector.broadcast %mul3A_68 : f32 to vector<128x1xf32>
    %mul3A_70 = arith.mulf %cos3A, %mul3A_69 : vector<128x1xf32>
    %sub3A_71 = vector.broadcast %mul3A_70 : vector<128x1xf32> to vector<128x9999xf32>
    %sub3A_72 = arith.subf %mul3A_67, %sub3A_71 : vector<128x9999xf32>
    %swap3A_73 = arith.constant 0 : index
    %swap3A_74 = arith.constant 0 : index
    %swap3A_75 = vector.load %arg4[%swap3A_73, %swap3A_74] : memref<128x9999xf32, #tpu.memory_space<vmem>>, vector<128x9999xf32>
    tpu.vector_store %arg4[%swap3A_73, %swap3A_74], %sub3A_72 {strides = array<i32>} : memref<128x9999xf32, #tpu.memory_space<vmem>>, vector<128x9999xf32>,
    return
  }
  func.func @transform_0(%arg0: i32) -> (i32, i32) {
    %c0_i32 = arith.constant 0 : i32
    %c0_i32_0 = arith.constant 0 : i32
    return %arg0, %c0_i32 : i32, i32
  }
  func.func @transform_1(%arg0: i32) -> (i32, i32) {
    %c0_i32 = arith.constant 0 : i32
    %c0_i32_0 = arith.constant 0 : i32
    return %arg0, %c0_i32 : i32, i32
  }
  func.func @transform_2(%arg0: i32) -> (i32, i32) {
    %c0_i32 = arith.constant 0 : i32
    %c0_i32_0 = arith.constant 0 : i32
    return %arg0, %c0_i32 : i32, i32
  }
  func.func @transform_3(%arg0: i32) -> (i32, i32) {
    %c0_i32 = arith.constant 0 : i32
    %c0_i32_0 = arith.constant 0 : i32
    return %arg0, %c0_i32 : i32, i32
  }
  func.func @transform_4(%arg0: i32) -> (i32, i32) {
    %c0_i32 = arith.constant 0 : i32
    %c0_i32_0 = arith.constant 0 : i32
    return %arg0, %c0_i32 : i32, i32
  }
}

</mosaic_0001>

<sc_bundles>
// kernel: kernel.4.cloned.1.call-start
scs
__scs_entry_jumppad:
0x0: {  	(pc) =	sbr.rel $0x88, $3  }
0x1: {  	(tag) =	ssettag $0x0;
	lr =	simm.s32 $0x1  }
0x2: {  	[smem:$0x3F9F] =	sst lr;
	_ =	strace $0xD0000000  }
0x3: {  	_ = 	snop  }
0x4: {  	_ = 	snop  }
0x5: {  	_ = 	snop  }
0x6: {  	_ = 	snop  }
0x7: {  	_ = 	snop  }
__scs_overlays_trampoline_lowered:
0x8: {  	[smem:$0x3FAE] =	sst s0  }
0x9: {  	[smem:$0x3FAF] =	sst s1  }
0xa: {  	[smem:$0x3FB0] =	sst s2  }
0xb: {  	[smem:$0x3FB1] =	sst s3  }
0xc: {  	[smem:$0x3FB2] =	sst s4  }
0xd: {  	[smem:$0x3FB3] =	sst s5  }
0xe: {  	[smem:$0x3FB4] =	sst s6  }
0xf: {  	[smem:$0x3FB5] =	sst s7  }
0x10: {  	[smem:$0x3FB6] =	sst s8  }
0x11: {  	[smem:$0x3FB7] =	sst s9;
	s0 =	simm.s32 @!p0 $0x0  }
0x12: {  	s1 =	sld [smem:$0x3F9D];
	s0 =	simm.s32 @p0 $0x1  }
0x13: {  	[smem:$0x3FB8] =	sst s0;
	s0 =	simm.s32 @!p1 $0x0  }
0x14: {  	s2 =	sld [smem:$0x3F9C];
	s0 =	simm.s32 @p1 $0x1  }
0x15: {  	[smem:$0x3FB9] =	sst s0;
	s0 =	simm.s32 @!p2 $0x0  }
0x16: {  	s3 =	sld [smem:$0x3FDB];
	s0 =	simm.s32 @p2 $0x1  }
0x17: {  	s4 =	simm.s32 $0x1BF5;
	[smem:$0x3FBB] =	sst s0  }
0x18: {  	s0 =	sld [smem:$0x3F9E];
	_ =	swait.ge [sflag:s4], $0x0  }
0x19: {  	s7 =	sld [smem:$0x3F9F]  }
0x1a: {  	s8 =	sadd.s32 $0xFFFFE003, lr  }
0x1b: {  	s9 =	sadd.s32 $0xFFFFFEF7, lr;
	s5 =	simm.s32 $0xFFFFFFFF;
	p2 =	slt.u32 s8, $0xFFFFF086  }
0x1c: {  	p1 =	slt.u32 s9, $0xF7A;
	s5 =	simm.s32 @!p2 $0x0  }
0x1d: {  	s5 =	simm.s32 @p1 $0x1;
	p0 =	seq.s32 s7, s2  }
0x1e: {  	s7 =	smul.u32 @!p0 $0xF7A, s2;
	p2 =	seq.s32 @!p0 s5, $0x0  }
0x1f: {  	s9 =	smul.u32 $0xF7A, s1;
	s8 =	simm.s32 @!p0 $0x1BF5;
	p2 =	por !p2, p0  }
0x20: {  	[sflag:s8] =	ssyncset.s32 @!p0 $0xFFFFF086;
	s6 =	sadd.s32 @!p0 s3, s7;
	s7 =	simm.s32 @!p0 $0x108  }
0x21: {  	s3 =	sadd.s32 s3, s9;
	s6 =	sadd.s32 @!p0 $0x88, s6;
	s7 =	simm.s32 @p2 $0x1082  }
0x22: {  	[simem:s7], [sflag:s8] =	dma.local @!p0 [hbm:s6], $0xF7A  }
0x23: {  	s9 =	sor.u32 $0xD0000000, s2;
	s6 =	simm.s32 $0x108;
	_ =	swait.ge @!p0 [sflag:s8], $0x0  }
0x24: {  	s3 =	sadd.s32 $0x88, s3;
	s6 =	simm.s32 @!p1 $0x1082;
	[sflag:s4] =	ssyncset.s32 $0xFFFFF086  }
0x25: {  	[simem:s6], [sflag:s4] =	dma.local [hbm:s3], $0xF7A  }
0x26: {  	[smem:$0x3F9F] =	sst s1;
	(tag) =	ssettag s2;
	_ =	strace s9  }
0x27: {  	s1 =	sld [smem:$0x3FAF]  }
0x28: {  	s2 =	sld [smem:$0x3FB0]  }
0x29: {  	s4 =	sld [smem:$0x3FB2]  }
0x2a: {  	p0 =	seq.s32 s5, $0x0;
	s5 =	sld [smem:$0x3FB3]  }
0x2b: {  	s6 =	sld [smem:$0x3FB4]  }
0x2c: {  	s7 =	sld [smem:$0x3FB5]  }
0x2d: {  	s3 =	simm.s32 $0x108;
	s8 =	sld [smem:$0x3FB6]  }
0x2e: {  	s3 =	simm.s32 @!p0 $0x1082;
	s9 =	sld [smem:$0x3FB7]  }
0x2f: {  	lr =	sadd.s32 s0, s3;
	s0 =	sld [smem:$0x3FAE]  }
0x30: {  	s3 =	sld [smem:$0x3FB1]  }
0x31: {  	[smem:$0x3FBA] =	sst s10  }
0x32: {  	s10 =	sld [smem:$0x3FB8];
	_ =	sdelay $0x3  }
0x33: {  	p0 =	seq.s32 s10, $0x1;
	s10 =	sld [smem:$0x3FBA];
	_ =	sdelay $0x3  }
0x34: {  	[smem:$0x3FBA] =	sst s10  }
0x35: {  	s10 =	sld [smem:$0x3FB9];
	_ =	sdelay $0x3  }
0x36: {  	p1 =	seq.s32 s10, $0x1;
	s10 =	sld [smem:$0x3FBA];
	_ =	sdelay $0x3  }
0x37: {  	[smem:$0x3FBA] =	sst s10  }
0x38: {  	s10 =	sld [smem:$0x3FBB]  }
0x39: {  	_ = 	snop;
	(pc) =	sbr.ind lr, $3  }
0x3a: {  	_ = 	snop  }
0x3b: {  	_ = 	snop  }
0x3c: {  	p2 =	seq.s32 s10, $0x1;
	s10 =	sld [smem:$0x3FBA]  }
0x3d: {  	_ =	shalt  }
0x3e: {  	_ =	shalt  }
0x3f: {  	_ =	shalt  }
0x40: {  	_ =	shalt  }
0x41: {  	_ =	shalt  }
0x42: {  	_ =	shalt  }
0x43: {  	_ =	shalt  }
0x44: {  	_ =	shalt  }
0x45: {  	_ =	shalt  }
0x46: {  	_ =	shalt  }
0x47: {  	_ =	shalt  }
0x48: {  	_ =	shalt  }
0x49: {  	_ =	shalt  }
0x4a: {  	_ =	shalt  }
0x4b: {  	_ =	shalt  }
0x4c: {  	_ =	shalt  }
0x4d: {  	_ =	shalt  }
0x4e: {  	_ =	shalt  }
0x4f: {  	_ =	shalt  }
0x50: {  	_ =	shalt  }
0x51: {  	_ =	shalt  }
0x52: {  	_ =	shalt  }
0x53: {  	_ =	shalt  }
0x54: {  	_ =	shalt  }
0x55: {  	_ =	shalt  }
0x56: {  	_ =	shalt  }
0x57: {  	_ =	shalt  }
0x58: {  	_ =	shalt  }
0x59: {  	_ =	shalt  }
0x5a: {  	_ =	shalt  }
0x5b: {  	_ =	shalt  }
0x5c: {  	_ =	shalt  }
0x5d: {  	_ =	shalt  }
0x5e: {  	_ =	shalt  }
0x5f: {  	_ =	shalt  }
0x60: {  	_ =	shalt  }
0x61: {  	_ =	shalt  }
0x62: {  	_ =	shalt  }
0x63: {  	_ =	shalt  }
0x64: {  	_ =	shalt  }
0x65: {  	_ =	shalt  }
0x66: {  	_ =	shalt  }
0x67: {  	_ =	shalt  }
0x68: {  	_ =	shalt  }
0x69: {  	_ =	shalt  }
0x6a: {  	_ =	shalt  }
0x6b: {  	_ =	shalt  }
0x6c: {  	_ =	shalt  }
0x6d: {  	_ =	shalt  }
0x6e: {  	_ =	shalt  }
0x6f: {  	_ =	shalt  }
0x70: {  	_ =	shalt  }
0x71: {  	_ =	shalt  }
0x72: {  	_ =	shalt  }
0x73: {  	_ =	shalt  }
0x74: {  	_ =	shalt  }
0x75: {  	_ =	shalt  }
0x76: {  	_ =	shalt  }
0x77: {  	_ =	shalt  }
0x78: {  	_ =	shalt  }
0x79: {  	_ =	shalt  }
0x7a: {  	_ =	shalt  }
0x7b: {  	_ =	shalt  }
0x7c: {  	_ =	shalt  }
0x7d: {  	_ =	shalt  }
0x7e: {  	_ =	shalt  }
0x7f: {  	_ =	shalt  }
0x80: {  	_ =	shalt  }
0x81: {  	_ =	shalt  }
0x82: {  	_ =	shalt  }
0x83: {  	_ =	shalt  }
0x84: {  	_ =	shalt  }
0x85: {  	_ =	shalt  }
0x86: {  	_ =	shalt  }
0x87: {  	_ =	shalt  }
.Lfunc_end0:
.L_simem_size_0:
called_computation_lowered:
.L_overlay_start_0:
0x88: {  	s2 =	sld [smem:$0x3FD9]  }
0x89: {  	s3 =	sld [smem:$0x3FFE];
	_ =	sdelay $0x1  }
0x8a: {  	s1 =	srdreg.scid  }
0x8b: {  	s0 =	sand.u32 $0x1, s1  }
0x8c: {  	s15 =	sshll.u32 s0, $0xA;
	s2 =	sadd.s32 s3, s2  }
0x8d: {  	s2 =	sadd.s32 s2, s15  }
0x8e: {  	[smem:$0x3FC6] =	sst s2  }
0x8f: {  	_ = 	snop  }
0x90: {  	s2 =	sld [smem:$0x3FD0];
	_ =	sdelay $0x2  }
0x91: {  	s4 =	simm.s32 $0xA;
	s5 =	simm.s32 $0x10;
	s16 =	sld [smem:$0x3FC8]  }
0x92: {  	[smem:s5], [sflag:s4] =	dma.local [hbm:s2], $0x1  }
0x93: {  	_ =	swait.eq [sflag:s4], $0x1  }
0x94: {  	[sflag:s4] =	ssyncset.done $0x0  }
0x95: {  	s17 =	sld [smem:$0x10];
	[sflag:s4] =	ssyncadd.s32 $0xFFFFFFFF  }
0x96: {  	s18 =	sld [smem:$0x11];
	(tm) =	ssettm $0x1  }
0x97: {  	s19 =	sld [smem:$0x3FFB];
	_ =	sdelay $0x3  }
0x98: {  	_ =	strace s19  }
0x99: {  	s5 =	sld [smem:$0x3FFC];
	_ =	sdelay $0x3  }
0x9a: {  	_ =	strace s5  }
0x9b: {  	s5 =	sld [smem:$0x3FFD];
	_ =	sdelay $0x3  }
0x9c: {  	_ =	strace s5  }
0x9d: {  	_ =	strace $0x8FFFFFFF  }
0x9e: {  	s20 =	sld [smem:$0x3FDB];
	_ =	sdelay $0x1  }
0x9f: {  	s6 =	simm.s32 $_scs_section_size  }
0xa0: {  	s7 =	simm.s32 $_size__tile_overlayer_lowered;
	s8 =	simm.s32 $_tile_overlayer_lowered  }
0xa1: {  	s23 =	simm.s32 $0x1BFF;
	s22 =	sshll.u32 s8, $0x1;
	s5 =	sadd.s32 s6, s20  }
0xa2: {  	s9 =	simm.s32 $0x0;
	s21 =	sshll.u32 s7, $0x1;
	s7 =	sadd.s32 s22, s5  }
0xa3: {  	[timem:s9], [sflag:s23] =	dma.local [hbm:s7], s21  }
0xa4: {  	_ =	swait.ge [sflag:s23], s21  }
0xa5: {  	s6 =	ssub.s32 $0x0, s21;
	[sflag:s23] =	ssyncset.done $0x0  }
0xa6: {  	[sflag:s23] =	ssyncadd.s32 s6;
	_ =	sdelay $0x1  }
0xa7: {  	s24 =	simm.s32 $0x1B8B  }
0xa8: {  	_ =	swait.ge [sflag:s24], $0x1  }
0xa9: {  	[sflag:s24] =	ssyncset.done $0x0  }
0xaa: {  	s25 =	simm.s32 $0x1B8E;
	[sflag:s24] =	ssyncadd.s32 $0xFFFFFFFF  }
0xab: {  	s26 =	simm.s32 $execute0_lowered;
	[smem:$0x3FD2] =	sst s25  }
0xac: {  	s6 =	sshll.u32 s26, $0x1;
	_ =	strace $0x80000046;
	[dreg:$0x1] =	wrdreg $0xFFFFFFFF  }
0xad: {  	s28 =	simm.s32 $_size_execute0_lowered;
	s5 =	sadd.s32 s5, s6;
	[dreg:$0x0] =	wrdreg $0x0  }
0xae: {  	s6 =	sshll.u32 s28, $0x1;
	[dreg:$0x2] =	wrdreg s5  }
0xaf: {  	[dreg:$0x3] =	wrdreg s6  }
0xb0: {  	[dreg:$0x4] =	wrdreg $0xC0  }
0xb1: {  	_ =	task [dreg:s9], $0x5FFFF  }
0xb2: {  	[dreg:$0x1] =	wrdreg $0xFFFFFFFF  }
0xb3: {  	[dreg:$0x0] =	wrdreg $0x60  }
0xb4: {  	[dreg:$0x2] =	wrdreg s16  }
0xb5: {  	[dreg:$0x3] =	wrdreg s17  }
0xb6: {  	[dreg:$0x4] =	wrdreg s18  }
0xb7: {  	[dreg:$0x5] =	wrdreg $0x9  }
0xb8: {  	_ =	task.clear_ibuf [dreg:s9], $0x6FFFF;
	_ =	strace $0x90000046  }
0xb9: {  	s29 =	simm.s32 $0x9;
	_ =	strace $0x80000048  }
0xba: {  	_ =	swait.ge [sflag:s29], $0x1  }
0xbb: {  	[sflag:s29] =	ssyncadd.s32 $0xFFFFFFFF  }
0xbc: {  	_ =	strace $0x90000048  }
0xbd: {  	_ =	sfence  }
0xbe: {  	s30 =	sld [smem:$0x0];
	_ =	sdelay $0x2  }
0xbf: {  	s31 =	sshll.u32 s1, $0xD;
	s1 =	sshrl.u32 s1, $0x2  }
0xc0: {  	s3 =	sand.u32 $0x4000, s31;
	s1 =	sadd.s32 s1, s30  }
0xc1: {  	s0 =	sor.u32 s3, s0;
	s1 =	sshll.u32 s1, $0x11  }
0xc2: {  	s0 =	sor.u32 s1, s0  }
0xc3: {  	s0 =	sadd.s32 $0x8F2B, s0  }
0xc4: {  	[sflag:s0] =	ssyncadd.remote.s32 $0x1  }
0xc5: {  	_ =	sfence.sel $0xFFFF  }
0xc6: {  	[dreg:$0x0] =	wrdreg $0xFFFFFFFF;
	(pc) =	sbr.abs _section_cstart, $3  }
0xc7: {  	[dreg:$0x1] =	wrdreg $0xFFFFFFFF  }
0xc8: {  	_ =	task.clear_ibuf [dreg:s9], $0x2FFFF;
	_ =	strace $0x9FFFFFFF  }
0xc9: {  	(tm) =	ssettm $0x7FFFFFFF  }
tec
execute0_lowered:
.L_overlay_start_1:
0x0: {  	(tag) =	ssettag $0x1  }
0x1: {  	s4 =	rddreg [dreg:$0x0];
	s3 =	srdreg.scid  }
0x2: {  	s2 =	rddreg [dreg:$0x1];
	s1 =	stileid.u32;
	s8 =	sand.u32 $0x1, s3  }
0x3: {  	s6 =	rddreg [dreg:$0x2];
	s5 =	sshll.u32 s1, $0x8;
	s7 =	sshll.u32 s8, $0x7  }
0x4: {  	s0 =	rddreg [dreg:$0x3];
	s3 =	simm.s32 $0x0;
	s9 =	sor.u32 s7, s5  }
0x5: {  	[smem:$0x7FF] =	sst s3;
	s7 =	sshrl.u32 s9, $0x3  }
0x6: {  	_ =	strace $0x80000047;
	s5 =	sadd.s32 s4, s7;
	s4 =	simm.s32 $0x2  }
0x7: {  	v2 =	vlaneseq.u32;
	[tilespmem:s3], [sflag:$0x2] =	stream.linear.gather [hbm4b:s5+s3], $0x80, $0x38;
	[tilespmem:$0x180] =	vst v63  }
0x8: {  	v7 =	vmul.u32 $0x2710, v2;
	s10 =	sor.u32 $0x10, s9;
	s24 =	sor.u32 $0x20, s9;
	_ =	swait.ge [sflag:s4], $0x80  }
0x9: {  	v1 =	vmov s9;
	s25 =	sor.u32 $0x70, s9;
	s28 =	sor.u32 $0x50, s9;
	v0 =	vmov s10;
	v3 =	vmov s24;
	[sflag:s4] =	ssyncset.done $0x0  }
0xa: {  	s26 =	sor.u32 $0x30, s9;
	v5 =	vmul.u32 $0x2710, v1;
	v1 =	vmov s25;
	v6 =	vmov s28;
	[sflag:s4] =	ssyncadd.s32 $0xFFFFFF80  }
0xb: {  	s29 =	sor.u32 $0x40, s9;
	v4 =	vmul.u32 $0x2710, v0;
	v0 =	vmov s26;
	v1 =	vmul.u32 $0x2710, v1;
	v2 =	vld [tilespmem:$0x70]  }
0xc: {  	v9 =	vmov s29;
	v3 =	vmul.u32 $0x2710, v3;
	v0 =	vmul.u32 $0x2710, v0;
	v8 =	vld [tilespmem:$0x30]  }
0xd: {  	s9 =	sor.u32 $0x60, s9;
	v6 =	vmul.u32 $0x2710, v6;
	v9 =	vmul.u32 $0x2710, v9;
	v1 =	vbroadcast v1, $0x0;
	v55 =	vld [tilespmem:$0x20]  }
0xe: {  	v60 =	vbroadcast v5, $0x0;
	v11 =	vbroadcast v0, $0x0;
	v0 =	vmov s9;
	v10 =	vld [tilespmem:$0x50]  }
0xf: {  	s8 =	ssub.s32 $0x2, s8;
	v57 =	vbroadcast v3, $0x0;
	v12 =	vld [tilespmem:$0x40];
	v13 =	vmul.u32 $0x2710, v0;
	v0 =	vadd.s32 v7, v1  }
0x10: {  	s30 =	sshrl.u32 s8, $0x1;
	v6 =	vbroadcast v6, $0x0;
	v14 =	vld [tilespmem:$0x60];
	v1 =	vadd.s32 v7, v11;
	v15 =	vadd.s32 v2, v0  }
0x11: {  	s8 =	ssub.s32 s8, s30;
	v9 =	vbroadcast v9, $0x0;
	v56 =	vld [tilespmem:$0x10];
	v5 =	vadd.s32 v7, v57;
	v8 =	vadd.s32 v8, v1;
	[tilespmem:$0xF0] =	vst v15  }
0x12: {  	s31 =	smax.u32 s8, $0x1;
	v2 =	vadd.s32 v7, v6;
	v6 =	vbroadcast v13, $0x0;
	v62 =	vadd.s32 v55, v5;
	[tilespmem:$0xB0] =	vst v8;
	v8 =	vld [tilespmem:$0x0]  }
0x13: {  	p0 =	sne.s32 s31, $0x1;
	v59 =	vbroadcast v4, $0x0;
	v3 =	vadd.s32 v7, v9;
	v58 =	vadd.s32 v10, v2;
	[tilespmem:$0xA0] =	vst v62  }
.Ltmp0:
0x14: {  	v4 =	vadd.s32 v7, v6;
	v6 =	vadd.s32 v12, v3;
	[tilespmem:$0xD0] =	vst v58;
	(pc) =	sbr.rel @!p0 .LBB2_2-.Ltmp0, $4  }
0x15: {  	[tilespmem:$0xC0] =	vst v6;
	v61 =	vadd.s32 v14, v4;
	v6 =	vadd.s32 v7, v59  }
0x16: {  	v7 =	vadd.s32 v7, v60;
	[tilespmem:$0xE0] =	vst v61;
	v63 =	vadd.s32 v56, v6  }
0x17: {  	s6 =	sadd.s32 s6, s7;
	s7 =	simm.s32 $0x80;
	[tilespmem:$0x90] =	vst v63;
	v8 =	vadd.s32 v8, v7  }
0x18: {  	s8 =	simm.s32 $0x100;
	s10 =	sadd.s32 $0xFFFFFFFF, s31;
	s9 =	simm.s32 $0x1;
	[tilespmem:$0x80] =	vst v8  }
.LBB2_1:
0x19: {  	[tilespmem:s8], [sflag:$0x1] =	stream.indirect.gather [hbm4b:s2+s7], $0x1, s7, s7, $0xb8;
	[tilespmem:$0x180] =	vst v63  }
0x1a: {  	p0 =	sne.s32 s10, $0x1;
	s10 =	sadd.s32 $0xFFFFFFFF, s10;
	_ =	swait.ge [sflag:s9], $0x80  }
0x1b: {  	[sflag:s9] =	ssyncset.done $0x0  }
0x1c: {  	[sflag:s9] =	ssyncadd.s32 $0xFFFFFF80  }
0x1d: {  	[hbm4b:s6+s3] =	stream.linear.scatter [tilespmem:s8], [sflag:$0x2], $0x80, $0x38;
	[tilespmem:$0x180] =	vst v63  }
0x1e: {  	_ =	swait.ge [sflag:s4], $0x80  }
0x1f: {  	[sflag:s4] =	ssyncset.done $0x0  }
0x20: {  	[sflag:s4] =	ssyncadd.s32 $0xFFFFFF80  }
0x21: {  	[tilespmem:s3], [sflag:$0x2] =	stream.linear.gather [hbm4b:s5+s3], $0x80, $0x38;
	[tilespmem:$0x180] =	vst v63  }
0x22: {  	_ =	swait.ge [sflag:s4], $0x80  }
0x23: {  	[sflag:s4] =	ssyncset.done $0x0  }
0x24: {  	[sflag:s4] =	ssyncadd.s32 $0xFFFFFF80  }
0x25: {  	v8 =	vld [tilespmem:$0x70]  }
0x26: {  	v9 =	vld [tilespmem:$0x30]  }
0x27: {  	v10 =	vld [tilespmem:$0x50]  }
0x28: {  	v11 =	vld [tilespmem:$0x40]  }
0x29: {  	v12 =	vld [tilespmem:$0x60]  }
0x2a: {  	v13 =	vld [tilespmem:$0x20];
	v8 =	vadd.s32 v8, v0  }
0x2b: {  	v14 =	vld [tilespmem:$0x10];
	v9 =	vadd.s32 v9, v1;
	[tilespmem:$0xF0] =	vst v8  }
0x2c: {  	v8 =	vld [tilespmem:$0x0];
	[tilespmem:$0xB0] =	vst v9;
	v9 =	vadd.s32 v10, v2  }
0x2d: {  	v10 =	vadd.s32 v11, v3;
	[tilespmem:$0xD0] =	vst v9  }
.Ltmp1:
0x2e: {  	[tilespmem:$0xC0] =	vst v10;
	v9 =	vadd.s32 v12, v4;
	(pc) =	sbr.rel @p0 .LBB2_1-.Ltmp1, $4  }
0x2f: {  	v10 =	vadd.s32 v13, v5;
	[tilespmem:$0xE0] =	vst v9  }
0x30: {  	v9 =	vadd.s32 v14, v6;
	[tilespmem:$0xA0] =	vst v10  }
0x31: {  	v8 =	vadd.s32 v8, v7;
	[tilespmem:$0x90] =	vst v9  }
0x32: {  	[tilespmem:$0x80] =	vst v8  }
.LBB2_2:
0x33: {  	[tilespmem:s8], [sflag:$0x1] =	stream.indirect.gather [hbm4b:s2+s7], $0x1, s7, s7, $0xb8;
	[tilespmem:$0x180] =	vst v63  }
0x34: {  	_ =	swait.ge [sflag:s9], $0x80  }
0x35: {  	[sflag:s9] =	ssyncset.done $0x0  }
0x36: {  	[sflag:s9] =	ssyncadd.s32 $0xFFFFFF80  }
0x37: {  	[hbm4b:s6+s3] =	stream.linear.scatter [tilespmem:s8], [sflag:$0x2], $0x80, $0x38;
	[tilespmem:$0x180] =	vst v63  }
0x38: {  	_ =	swait.ge [sflag:s4], $0x80  }
0x39: {  	[sflag:s4] =	ssyncset.done $0x0  }
0x3a: {  	[sflag:s4] =	ssyncadd.s32 $0xFFFFFF80  }
0x3b: {  	_ =	sfence.sel $0x180000  }
0x3c: {  	[bflag:$0x0] =	sbarrier.arrive $0xFFFF  }
0x3d: {  	p0 =	sne.s32 s1, $0x0;
	_ =	strace $0x90000047  }
0x3e: {  	s0 =	sadd.s32 @!p0 $0x100000, s0;
	[bflag:$0x2] =	sbarrier.arrive $0xFFFF  }
0x3f: {  	[sflag:s0] =	ssyncadd.tile.s32 @!p0 $0x1;
	_ =	shalt  }
.Lfunc_end2:
_tile_overlayer_lowered:
.L_overlay_start_2:
0x40: {  	(tag) =	ssettag $0x2  }
0x41: {  	s0 =	rddreg [dreg:$0x0];
	s2 =	stileid.u32  }
0x42: {  	s1 =	rddreg [dreg:$0x1];
	p0 =	sne.s32 s2, $0x0  }
0x43: {  	s3 =	rddreg [dreg:$0x2];
	[bflag:$0x3] =	sbarrier.arrive $0xFFFF;
	s2 =	simm.s32 @!p0 $0x1C02  }
0x44: {  	[timem:s3], [sflag:s2] =	dma.local @!p0 [hbm:s0], s1  }
0x45: {  	s0 =	simm.s32 @!p0 $0x2  }
0x46: {  	_ =	swait.ge @!p0 [sflag:s0], s1  }
0x47: {  	s1 =	ssub.s32 @!p0 $0x0, s1;
	[sflag:s0] =	ssyncset.done @!p0 $0x0  }
0x48: {  	[sflag:s0] =	ssyncadd.s32 @!p0 s1  }
0x49: {  	[bflag:$0x3] =	sbarrier.arrive $0xFFFF  }
0x4a: {  	_ =	shalt  }

</sc_bundles>
